<compile_context>
chip_gen: v7x
topology: tpu7x:2x2x1
jax: 0.10.2.dev20260603
libtpu: 0.0.44.dev20260713+nightly
codegen_flags: <defaults>
</compile_context>

<pallas_src>
import functools

import jax
import jax.numpy as jnp
from jax import lax
from jax.experimental import pallas as pl
from jax.experimental.pallas import tpu as pltpu
from jax.experimental.pallas import tpu_sc as plsc

V = 1000001
VP = 1000008
D = 64
T = 20
B = 16384
N = T * B
NW = 32
RPW = N // (128 * NW)

_mesh = plsc.VectorSubcoreMesh(core_axis_name="c", subcore_axis_name="s")


@functools.partial(
    pl.kernel,
    mesh=_mesh,
    out_type=jax.ShapeDtypeStruct((N, D), jnp.float32),
    compiler_params=pltpu.CompilerParams(use_tc_tiling_on_sc=False),
    scratch_types=[
        pltpu.VMEM((2, 128), jnp.int32),
        pltpu.VMEM((2, 128, 128), jnp.float32),
        pltpu.SemaphoreType.DMA,
        pltpu.SemaphoreType.DMA,
        pltpu.SemaphoreType.DMA,
        pltpu.SemaphoreType.DMA,
        pltpu.SemaphoreType.DMA,
        pltpu.SemaphoreType.DMA,
    ],
)
def _emb_gather(wpad, idx2, o, idx_v, rows_v,
                isem0, isem1, gsem0, gsem1, osem0, osem1):
    isems = (isem0, isem1)
    gsems = (gsem0, gsem1)
    osems = (osem0, osem1)
    sc = lax.axis_index("c")
    w = lax.axis_index("s") * 2 + sc
    r0 = w * RPW

    def idx_dma(s, u):
        return pltpu.make_async_copy(idx2.at[r0 + s, :], idx_v.at[u], isems[u])

    def gather(u):
        return pltpu.make_async_copy(
            wpad.at[idx_v.at[u]], rows_v.at[u], gsems[u]
        )

    def out_dma(s, u):
        return pltpu.make_async_copy(
            rows_v.at[u, :, pl.ds(0, D)],
            o.at[pl.ds((r0 + s) * 128, 128), :],
            osems[u],
        )

    idx_dma(0, 0).start()

    def body(g, carry):
        for u in (0, 1):
            s = 2 * g + u

            @pl.when(s >= 1)
            def _():
                gather(1 - u).wait()
                out_dma(s - 1, 1 - u).start()

            @pl.when(s + 1 < RPW)
            def _():
                idx_dma(s + 1, 1 - u).start()

            idx_dma(s, u).wait()

            @pl.when(s >= 2)
            def _():
                out_dma(s - 2, u).wait()

            gather(u).start()
        return carry

    lax.fori_loop(0, RPW // 2, body, 0)
    gather(1).wait()
    out_dma(RPW - 1, 1).start()
    out_dma(RPW - 2, 0).wait()
    out_dma(RPW - 1, 1).wait()


def kernel(input, weight):
    wpad = jnp.pad(weight, ((0, VP - V), (0, 128 - D)))
    idx2 = input.T.reshape(N // 128, 128)
    o = _emb_gather(wpad, idx2)
    return jnp.transpose(o.reshape(T, B, D), (1, 0, 2))

# --- scband reference (transcript-rebuilt; emitter-appended) ---
"""Pipeline reference for scband-tensor-parallel-embedding-14139032338757 (READ-ONLY COPY).

The authoritative reference and input builder live on the scoring server;
editing this copy changes nothing except your own understanding.
"""

import jax, jax.numpy as jnp
import numpy as np

NUM_EMBEDDINGS = 1000000
EMBED_DIM = 64
WORLD_SIZE = 1
RANK = 0
BLOCK_SIZE = NUM_EMBEDDINGS // WORLD_SIZE
MIN_ID = RANK * BLOCK_SIZE
MAX_ID = min(NUM_EMBEDDINGS, (RANK + 1) * BLOCK_SIZE)
NULL_IDX = BLOCK_SIZE


def setup_inputs(seed: int = 0) -> dict:
    key = jax.random.key(seed)
    k1, k2 = jax.random.split(key)
    indices = jax.random.randint(k1, (16384, 20), 0, NUM_EMBEDDINGS, dtype=jnp.int32)
    # local shard weight [block_size, d], padded with a zero row for masked ids
    w = jax.random.normal(k2, (BLOCK_SIZE, EMBED_DIM), dtype=jnp.float32) * 0.02
    weight = jnp.concatenate([w, jnp.zeros((1, EMBED_DIM), dtype=jnp.float32)], axis=0)
    return {"input": indices, "weight": weight}


def reference(input, weight):
    # Map ids outside this rank's [MIN_ID, MAX_ID) range to the padded null row,
    # otherwise shift into local-table coordinates.
    local_ids = jnp.where((input < MIN_ID) | (input >= MAX_ID), NULL_IDX, input - MIN_ID)
    out = jnp.take(weight, local_ids, axis=0)
    # world_size == 1: the all_reduce is a no-op; with TP>1 this would be a sum
    # across ranks (each contributes zeros for ids it does not own).
    return out

if __name__ == "__main__":
    import jax
    _d = setup_inputs()
    print(jax.jit(kernel)(*tuple(_d.values())))

</pallas_src>

<mosaic_0001>
#map = affine_map<(d0, d1) -> (0, 0)>
module attributes {stable_mosaic.version = 14 : i64} {
  func.func @_emb_gather(%arg0: i32, %arg1: i32, %arg2: memref<1000008x128xf32, #tpu.memory_space<hbm>>, %arg3: memref<2560x128xi32, #tpu.memory_space<hbm>>, %arg4: memref<327680x64xf32, #tpu.memory_space<hbm>>, %arg5: memref<2x128xi32, #tpu.memory_space<vmem>>, %arg6: memref<2x128x128xf32, #tpu.memory_space<vmem>>, %arg7: memref<!tpu.dma_semaphore, #tpu.memory_space<semaphore_mem>>, %arg8: memref<!tpu.dma_semaphore, #tpu.memory_space<semaphore_mem>>, %arg9: memref<!tpu.dma_semaphore, #tpu.memory_space<semaphore_mem>>, %arg10: memref<!tpu.dma_semaphore, #tpu.memory_space<semaphore_mem>>, %arg11: memref<!tpu.dma_semaphore, #tpu.memory_space<semaphore_mem>>, %arg12: memref<!tpu.dma_semaphore, #tpu.memory_space<semaphore_mem>>) attributes {dimension_semantics = [#tpu.dimension_semantics<core_parallel>, #tpu.dimension_semantics<subcore_parallel>], iteration_bounds = array<i64: 2, 16>, scalar_prefetch = 0 : i64, scratch_operands = 8 : i64, tpu.core_type = #tpu.core_type<sc_vector_subcore>, window_params = [{transform_indices = #map}, {transform_indices = #map}, {transform_indices = #map}]} {
    %mul3A = arith.constant 2 : i32
    %mul3A_0 = arith.muli %arg1, %mul3A : i32
    %add3A = arith.addi %mul3A_0, %arg0 : i32
    %mul3A_1 = arith.constant 80 : i32
    %mul3A_2 = arith.muli %add3A, %mul3A_1 : i32
    %add3A_3 = arith.constant 0 : i32
    %add3A_4 = arith.addi %mul3A_2, %add3A_3 : i32
    %dma_start3A = arith.constant 0 : i32
    %dma_start3A_5 = arith.constant 0 : i32
    %dma_start3A_6 = tpu.memref_slice %arg5[%dma_start3A, %dma_start3A_5] : memref<2x128xi32, #tpu.memory_space<vmem>> -> memref<1x128xi32, #tpu.memory_space<vmem>>
    %dma_start3A_7 = tpu.memref_squeeze %dma_start3A_6 : memref<1x128xi32, #tpu.memory_space<vmem>> -> memref<128xi32, #tpu.memory_space<vmem>>
    %dma_start3A_8 = arith.constant 0 : i32
    %dma_start3A_9 = tpu.memref_slice %arg3[%add3A_4, %dma_start3A_8] : memref<2560x128xi32, #tpu.memory_space<hbm>> -> memref<1x128xi32, #tpu.memory_space<hbm>>
    %dma_start3A_10 = tpu.memref_squeeze %dma_start3A_9 : memref<1x128xi32, #tpu.memory_space<hbm>> -> memref<128xi32, #tpu.memory_space<hbm>>
    %dma_start3A_11 = arith.constant 0 : i32
    %dma_start3A_12 = tpu.memref_slice %arg5[%dma_start3A, %dma_start3A_11] : memref<2x128xi32, #tpu.memory_space<vmem>> -> memref<1x128xi32, #tpu.memory_space<vmem>>
    %dma_start3A_13 = tpu.memref_squeeze %dma_start3A_12 : memref<1x128xi32, #tpu.memory_space<vmem>> -> memref<128xi32, #tpu.memory_space<vmem>>
    %dma_start3A_14 = arith.constant 0 : i32
    %dma_start3A_15 = tpu.memref_slice %arg3[%add3A_4, %dma_start3A_14] : memref<2560x128xi32, #tpu.memory_space<hbm>> -> memref<1x128xi32, #tpu.memory_space<hbm>>
    %dma_start3A_16 = tpu.memref_squeeze %dma_start3A_15 : memref<1x128xi32, #tpu.memory_space<hbm>> -> memref<128xi32, #tpu.memory_space<hbm>>
    tpu.enqueue_dma source(%dma_start3A_16 : memref<128xi32, #tpu.memory_space<hbm>>) target(%dma_start3A_13 : memref<128xi32, #tpu.memory_space<vmem>>) target_semaphore(%arg7 : memref<!tpu.dma_semaphore, #tpu.memory_space<semaphore_mem>>)
    %scan3A = arith.constant 0 : i32
    %scan3A_17 = arith.constant 0 : i32
    %scan3A_18 = arith.constant 40 : i32
    %scan3A_19 = arith.addi %scan3A_17, %scan3A_18 : i32
    %scan3A_20 = arith.constant 1 : i32
    scf.for %scan3A_84 = %scan3A_17 to %scan3A_19 step %scan3A_20  : i32 {
      %mul3A_85 = arith.constant 2 : i32
      %mul3A_86 = arith.muli %mul3A_85, %scan3A_84 : i32
      %add3A_87 = arith.constant 0 : i32
      %add3A_88 = arith.addi %mul3A_86, %add3A_87 : i32
      %ge3A = arith.constant 1 : i32
      %ge3A_89 = arith.cmpi sge, %add3A_88, %ge3A : i32
      %convert_element_type3A = arith.extui %ge3A_89 : i1 to i32
      %cond3A = arith.constant 0 : i32
      %cond3A_90 = arith.cmpi ne, %convert_element_type3A, %cond3A : i32
      scf.if %cond3A_90 {
        %dma_wait3A_175 = arith.constant 1 : i32
        %dma_wait3A_176 = arith.constant 1 : i32
        %dma_wait3A_177 = arith.constant 0 : i32
        %dma_wait3A_178 = arith.constant 0 : i32
        %dma_wait3A_179 = tpu.memref_slice %arg6[%dma_wait3A_176, %dma_wait3A_177, %dma_wait3A_178] : memref<2x128x128xf32, #tpu.memory_space<vmem>> -> memref<1x128x128xf32, #tpu.memory_space<vmem>>
        %dma_wait3A_180 = tpu.memref_squeeze %dma_wait3A_179 : memref<1x128x128xf32, #tpu.memory_space<vmem>> -> memref<128x128xf32, #tpu.memory_space<vmem>>
        %dma_wait3A_181 = arith.constant 0 : i32
        %dma_wait3A_182 = tpu.memref_slice %arg5[%dma_wait3A_175, %dma_wait3A_181] : memref<2x128xi32, #tpu.memory_space<vmem>> -> memref<1x128xi32, #tpu.memory_space<vmem>>
        %dma_wait3A_183 = tpu.memref_squeeze %dma_wait3A_182 : memref<1x128xi32, #tpu.memory_space<vmem>> -> memref<128xi32, #tpu.memory_space<vmem>>
        %dma_wait3A_184 = arith.constant 0 : i32
        %dma_wait3A_185 = arith.constant 0 : i32
        %dma_wait3A_186 = tpu.memref_slice %arg2[%dma_wait3A_184, %dma_wait3A_185] : memref<1000008x128xf32, #tpu.memory_space<hbm>> -> memref<1000008x128xf32, #tpu.memory_space<hbm>>
        tpu.wait_indirect_dma semaphore(%arg10 : memref<!tpu.dma_semaphore, #tpu.memory_space<semaphore_mem>>) src(%dma_wait3A_186 : memref<1000008x128xf32, #tpu.memory_space<hbm>>) dst(%dma_wait3A_180 : memref<128x128xf32, #tpu.memory_space<vmem>>)
        %sub3A = arith.constant 1 : i32
        %sub3A_187 = arith.subi %add3A_88, %sub3A : i32
        %add3A_188 = arith.addi %mul3A_2, %sub3A_187 : i32
        %mul3A_189 = arith.constant 128 : i32
        %mul3A_190 = arith.muli %add3A_188, %mul3A_189 : i32
        %dma_start3A_191 = arith.constant 1 : i32
        %dma_start3A_192 = arith.constant 0 : i32
        %dma_start3A_193 = arith.constant 0 : i32
        %dma_start3A_194 = tpu.memref_slice %arg6[%dma_start3A_191, %dma_start3A_192, %dma_start3A_193] : memref<2x128x128xf32, #tpu.memory_space<vmem>> -> memref<1x128x64xf32, #tpu.memory_space<vmem>>
        %dma_start3A_195 = tpu.memref_squeeze %dma_start3A_194 : memref<1x128x64xf32, #tpu.memory_space<vmem>> -> memref<128x64xf32, #tpu.memory_space<vmem>>
        %dma_start3A_196 = arith.constant 0 : i32
        %dma_start3A_197 = tpu.memref_slice %arg4[%mul3A_190, %dma_start3A_196] : memref<327680x64xf32, #tpu.memory_space<hbm>> -> memref<128x64xf32, #tpu.memory_space<hbm>>
        %dma_start3A_198 = arith.constant 0 : i32
        %dma_start3A_199 = tpu.memref_slice %arg4[%mul3A_190, %dma_start3A_198] : memref<327680x64xf32, #tpu.memory_space<hbm>> -> memref<128x64xf32, #tpu.memory_space<hbm>>
        %dma_start3A_200 = arith.constant 0 : i32
        %dma_start3A_201 = arith.constant 0 : i32
        %dma_start3A_202 = tpu.memref_slice %arg6[%dma_start3A_191, %dma_start3A_200, %dma_start3A_201] : memref<2x128x128xf32, #tpu.memory_space<vmem>> -> memref<1x128x64xf32, #tpu.memory_space<vmem>>
        %dma_start3A_203 = tpu.memref_squeeze %dma_start3A_202 : memref<1x128x64xf32, #tpu.memory_space<vmem>> -> memref<128x64xf32, #tpu.memory_space<vmem>>
        tpu.enqueue_dma source(%dma_start3A_203 : memref<128x64xf32, #tpu.memory_space<vmem>>) target(%dma_start3A_199 : memref<128x64xf32, #tpu.memory_space<hbm>>) target_semaphore(%arg12 : memref<!tpu.dma_semaphore, #tpu.memory_space<semaphore_mem>>)
      } else {
      }
      %add3A_91 = arith.constant 1 : i32
      %add3A_92 = arith.addi %add3A_88, %add3A_91 : i32
      %lt3A = arith.constant 80 : i32
      %lt3A_93 = arith.cmpi slt, %add3A_92, %lt3A : i32
      %convert_element_type3A_94 = arith.extui %lt3A_93 : i1 to i32
      %cond3A_95 = arith.constant 0 : i32
      %cond3A_96 = arith.cmpi ne, %convert_element_type3A_94, %cond3A_95 : i32
      scf.if %cond3A_96 {
        %add3A_175 = arith.constant 1 : i32
        %add3A_176 = arith.addi %add3A_88, %add3A_175 : i32
        %add3A_177 = arith.addi %mul3A_2, %add3A_176 : i32
        %dma_start3A_178 = arith.constant 1 : i32
        %dma_start3A_179 = arith.constant 0 : i32
        %dma_start3A_180 = tpu.memref_slice %arg5[%dma_start3A_178, %dma_start3A_179] : memref<2x128xi32, #tpu.memory_space<vmem>> -> memref<1x128xi32, #tpu.memory_space<vmem>>
        %dma_start3A_181 = tpu.memref_squeeze %dma_start3A_180 : memref<1x128xi32, #tpu.memory_space<vmem>> -> memref<128xi32, #tpu.memory_space<vmem>>
        %dma_start3A_182 = arith.constant 0 : i32
        %dma_start3A_183 = tpu.memref_slice %arg3[%add3A_177, %dma_start3A_182] : memref<2560x128xi32, #tpu.memory_space<hbm>> -> memref<1x128xi32, #tpu.memory_space<hbm>>
        %dma_start3A_184 = tpu.memref_squeeze %dma_start3A_183 : memref<1x128xi32, #tpu.memory_space<hbm>> -> memref<128xi32, #tpu.memory_space<hbm>>
        %dma_start3A_185 = arith.constant 0 : i32
        %dma_start3A_186 = tpu.memref_slice %arg5[%dma_start3A_178, %dma_start3A_185] : memref<2x128xi32, #tpu.memory_space<vmem>> -> memref<1x128xi32, #tpu.memory_space<vmem>>
        %dma_start3A_187 = tpu.memref_squeeze %dma_start3A_186 : memref<1x128xi32, #tpu.memory_space<vmem>> -> memref<128xi32, #tpu.memory_space<vmem>>
        %dma_start3A_188 = arith.constant 0 : i32
        %dma_start3A_189 = tpu.memref_slice %arg3[%add3A_177, %dma_start3A_188] : memref<2560x128xi32, #tpu.memory_space<hbm>> -> memref<1x128xi32, #tpu.memory_space<hbm>>
        %dma_start3A_190 = tpu.memref_squeeze %dma_start3A_189 : memref<1x128xi32, #tpu.memory_space<hbm>> -> memref<128xi32, #tpu.memory_space<hbm>>
        tpu.enqueue_dma source(%dma_start3A_190 : memref<128xi32, #tpu.memory_space<hbm>>) target(%dma_start3A_187 : memref<128xi32, #tpu.memory_space<vmem>>) target_semaphore(%arg8 : memref<!tpu.dma_semaphore, #tpu.memory_space<semaphore_mem>>)
      } else {
      }
      %add3A_97 = arith.addi %mul3A_2, %add3A_88 : i32
      %dma_wait3A_98 = arith.constant 0 : i32
      %dma_wait3A_99 = arith.constant 0 : i32
      %dma_wait3A_100 = tpu.memref_slice %arg5[%dma_wait3A_98, %dma_wait3A_99] : memref<2x128xi32, #tpu.memory_space<vmem>> -> memref<1x128xi32, #tpu.memory_space<vmem>>
      %dma_wait3A_101 = tpu.memref_squeeze %dma_wait3A_100 : memref<1x128xi32, #tpu.memory_space<vmem>> -> memref<128xi32, #tpu.memory_space<vmem>>
      %dma_wait3A_102 = arith.constant 0 : i32
      %dma_wait3A_103 = tpu.memref_slice %arg3[%add3A_97, %dma_wait3A_102] : memref<2560x128xi32, #tpu.memory_space<hbm>> -> memref<1x128xi32, #tpu.memory_space<hbm>>
      %dma_wait3A_104 = tpu.memref_squeeze %dma_wait3A_103 : memref<1x128xi32, #tpu.memory_space<hbm>> -> memref<128xi32, #tpu.memory_space<hbm>>
      %dma_wait3A_105 = arith.constant 0 : i32
      %dma_wait3A_106 = tpu.memref_slice %arg5[%dma_wait3A_98, %dma_wait3A_105] : memref<2x128xi32, #tpu.memory_space<vmem>> -> memref<1x128xi32, #tpu.memory_space<vmem>>
      %dma_wait3A_107 = tpu.memref_squeeze %dma_wait3A_106 : memref<1x128xi32, #tpu.memory_space<vmem>> -> memref<128xi32, #tpu.memory_space<vmem>>
      %dma_wait3A_108 = arith.constant 0 : i32
      %dma_wait3A_109 = tpu.memref_slice %arg3[%add3A_97, %dma_wait3A_108] : memref<2560x128xi32, #tpu.memory_space<hbm>> -> memref<1x128xi32, #tpu.memory_space<hbm>>
      %dma_wait3A_110 = tpu.memref_squeeze %dma_wait3A_109 : memref<1x128xi32, #tpu.memory_space<hbm>> -> memref<128xi32, #tpu.memory_space<hbm>>
      tpu.wait_dma2 semaphore(%arg7 : memref<!tpu.dma_semaphore, #tpu.memory_space<semaphore_mem>>) src(%dma_wait3A_110 : memref<128xi32, #tpu.memory_space<hbm>>) dst(%dma_wait3A_107 : memref<128xi32, #tpu.memory_space<vmem>>)
      %ge3A_111 = arith.constant 2 : i32
      %ge3A_112 = arith.cmpi sge, %add3A_88, %ge3A_111 : i32
      %convert_element_type3A_113 = arith.extui %ge3A_112 : i1 to i32
      %cond3A_114 = arith.constant 0 : i32
      %cond3A_115 = arith.cmpi ne, %convert_element_type3A_113, %cond3A_114 : i32
      scf.if %cond3A_115 {
        %sub3A = arith.constant 2 : i32
        %sub3A_175 = arith.subi %add3A_88, %sub3A : i32
        %add3A_176 = arith.addi %mul3A_2, %sub3A_175 : i32
        %mul3A_177 = arith.constant 128 : i32
        %mul3A_178 = arith.muli %add3A_176, %mul3A_177 : i32
        %dma_wait3A_179 = arith.constant 0 : i32
        %dma_wait3A_180 = arith.constant 0 : i32
        %dma_wait3A_181 = arith.constant 0 : i32
        %dma_wait3A_182 = tpu.memref_slice %arg6[%dma_wait3A_179, %dma_wait3A_180, %dma_wait3A_181] : memref<2x128x128xf32, #tpu.memory_space<vmem>> -> memref<1x128x64xf32, #tpu.memory_space<vmem>>
        %dma_wait3A_183 = tpu.memref_squeeze %dma_wait3A_182 : memref<1x128x64xf32, #tpu.memory_space<vmem>> -> memref<128x64xf32, #tpu.memory_space<vmem>>
        %dma_wait3A_184 = arith.constant 0 : i32
        %dma_wait3A_185 = tpu.memref_slice %arg4[%mul3A_178, %dma_wait3A_184] : memref<327680x64xf32, #tpu.memory_space<hbm>> -> memref<128x64xf32, #tpu.memory_space<hbm>>
        %dma_wait3A_186 = arith.constant 0 : i32
        %dma_wait3A_187 = tpu.memref_slice %arg4[%mul3A_178, %dma_wait3A_186] : memref<327680x64xf32, #tpu.memory_space<hbm>> -> memref<128x64xf32, #tpu.memory_space<hbm>>
        %dma_wait3A_188 = arith.constant 0 : i32
        %dma_wait3A_189 = arith.constant 0 : i32
        %dma_wait3A_190 = tpu.memref_slice %arg6[%dma_wait3A_179, %dma_wait3A_188, %dma_wait3A_189] : memref<2x128x128xf32, #tpu.memory_space<vmem>> -> memref<1x128x64xf32, #tpu.memory_space<vmem>>
        %dma_wait3A_191 = tpu.memref_squeeze %dma_wait3A_190 : memref<1x128x64xf32, #tpu.memory_space<vmem>> -> memref<128x64xf32, #tpu.memory_space<vmem>>
        tpu.wait_dma2 semaphore(%arg11 : memref<!tpu.dma_semaphore, #tpu.memory_space<semaphore_mem>>) src(%dma_wait3A_191 : memref<128x64xf32, #tpu.memory_space<vmem>>) dst(%dma_wait3A_187 : memref<128x64xf32, #tpu.memory_space<hbm>>)
      } else {
      }
      %dma_start3A_116 = arith.constant 0 : i32
      %dma_start3A_117 = arith.constant 0 : i32
      %dma_start3A_118 = arith.constant 0 : i32
      %dma_start3A_119 = arith.constant 0 : i32
      %dma_start3A_120 = tpu.memref_slice %arg6[%dma_start3A_117, %dma_start3A_118, %dma_start3A_119] : memref<2x128x128xf32, #tpu.memory_space<vmem>> -> memref<1x128x128xf32, #tpu.memory_space<vmem>>
      %dma_start3A_121 = tpu.memref_squeeze %dma_start3A_120 : memref<1x128x128xf32, #tpu.memory_space<vmem>> -> memref<128x128xf32, #tpu.memory_space<vmem>>
      %dma_start3A_122 = arith.constant 0 : i32
      %dma_start3A_123 = tpu.memref_slice %arg5[%dma_start3A_116, %dma_start3A_122] : memref<2x128xi32, #tpu.memory_space<vmem>> -> memref<1x128xi32, #tpu.memory_space<vmem>>
      %dma_start3A_124 = tpu.memref_squeeze %dma_start3A_123 : memref<1x128xi32, #tpu.memory_space<vmem>> -> memref<128xi32, #tpu.memory_space<vmem>>
      %dma_start3A_125 = arith.constant 0 : i32
      %dma_start3A_126 = arith.constant 0 : i32
      %dma_start3A_127 = tpu.memref_slice %arg2[%dma_start3A_125, %dma_start3A_126] : memref<1000008x128xf32, #tpu.memory_space<hbm>> -> memref<1000008x128xf32, #tpu.memory_space<hbm>>
      tpu.enqueue_indirect_dma source(%dma_start3A_127 : memref<1000008x128xf32, #tpu.memory_space<hbm>>) target(%dma_start3A_121 : memref<128x128xf32, #tpu.memory_space<vmem>>) offsets(%dma_start3A_124 : memref<128xi32, #tpu.memory_space<vmem>>) semaphore(%arg9 : memref<!tpu.dma_semaphore, #tpu.memory_space<semaphore_mem>>)
      %mul3A_128 = arith.constant 2 : i32
      %mul3A_129 = arith.muli %mul3A_128, %scan3A_84 : i32
      %add3A_130 = arith.constant 1 : i32
      %add3A_131 = arith.addi %mul3A_129, %add3A_130 : i32
      %ge3A_132 = arith.constant 1 : i32
      %ge3A_133 = arith.cmpi sge, %add3A_131, %ge3A_132 : i32
      %convert_element_type3A_134 = arith.extui %ge3A_133 : i1 to i32
      %cond3A_135 = arith.constant 0 : i32
      %cond3A_136 = arith.cmpi ne, %convert_element_type3A_134, %cond3A_135 : i32
      scf.if %cond3A_136 {
        %dma_wait3A_175 = arith.constant 0 : i32
        %dma_wait3A_176 = arith.constant 0 : i32
        %dma_wait3A_177 = arith.constant 0 : i32
        %dma_wait3A_178 = arith.constant 0 : i32
        %dma_wait3A_179 = tpu.memref_slice %arg6[%dma_wait3A_176, %dma_wait3A_177, %dma_wait3A_178] : memref<2x128x128xf32, #tpu.memory_space<vmem>> -> memref<1x128x128xf32, #tpu.memory_space<vmem>>
        %dma_wait3A_180 = tpu.memref_squeeze %dma_wait3A_179 : memref<1x128x128xf32, #tpu.memory_space<vmem>> -> memref<128x128xf32, #tpu.memory_space<vmem>>
        %dma_wait3A_181 = arith.constant 0 : i32
        %dma_wait3A_182 = tpu.memref_slice %arg5[%dma_wait3A_175, %dma_wait3A_181] : memref<2x128xi32, #tpu.memory_space<vmem>> -> memref<1x128xi32, #tpu.memory_space<vmem>>
        %dma_wait3A_183 = tpu.memref_squeeze %dma_wait3A_182 : memref<1x128xi32, #tpu.memory_space<vmem>> -> memref<128xi32, #tpu.memory_space<vmem>>
        %dma_wait3A_184 = arith.constant 0 : i32
        %dma_wait3A_185 = arith.constant 0 : i32
        %dma_wait3A_186 = tpu.memref_slice %arg2[%dma_wait3A_184, %dma_wait3A_185] : memref<1000008x128xf32, #tpu.memory_space<hbm>> -> memref<1000008x128xf32, #tpu.memory_space<hbm>>
        tpu.wait_indirect_dma semaphore(%arg9 : memref<!tpu.dma_semaphore, #tpu.memory_space<semaphore_mem>>) src(%dma_wait3A_186 : memref<1000008x128xf32, #tpu.memory_space<hbm>>) dst(%dma_wait3A_180 : memref<128x128xf32, #tpu.memory_space<vmem>>)
        %sub3A = arith.constant 1 : i32
        %sub3A_187 = arith.subi %add3A_131, %sub3A : i32
        %add3A_188 = arith.addi %mul3A_2, %sub3A_187 : i32
        %mul3A_189 = arith.constant 128 : i32
        %mul3A_190 = arith.muli %add3A_188, %mul3A_189 : i32
        %dma_start3A_191 = arith.constant 0 : i32
        %dma_start3A_192 = arith.constant 0 : i32
        %dma_start3A_193 = arith.constant 0 : i32
        %dma_start3A_194 = tpu.memref_slice %arg6[%dma_start3A_191, %dma_start3A_192, %dma_start3A_193] : memref<2x128x128xf32, #tpu.memory_space<vmem>> -> memref<1x128x64xf32, #tpu.memory_space<vmem>>
        %dma_start3A_195 = tpu.memref_squeeze %dma_start3A_194 : memref<1x128x64xf32, #tpu.memory_space<vmem>> -> memref<128x64xf32, #tpu.memory_space<vmem>>
        %dma_start3A_196 = arith.constant 0 : i32
        %dma_start3A_197 = tpu.memref_slice %arg4[%mul3A_190, %dma_start3A_196] : memref<327680x64xf32, #tpu.memory_space<hbm>> -> memref<128x64xf32, #tpu.memory_space<hbm>>
        %dma_start3A_198 = arith.constant 0 : i32
        %dma_start3A_199 = tpu.memref_slice %arg4[%mul3A_190, %dma_start3A_198] : memref<327680x64xf32, #tpu.memory_space<hbm>> -> memref<128x64xf32, #tpu.memory_space<hbm>>
        %dma_start3A_200 = arith.constant 0 : i32
        %dma_start3A_201 = arith.constant 0 : i32
        %dma_start3A_202 = tpu.memref_slice %arg6[%dma_start3A_191, %dma_start3A_200, %dma_start3A_201] : memref<2x128x128xf32, #tpu.memory_space<vmem>> -> memref<1x128x64xf32, #tpu.memory_space<vmem>>
        %dma_start3A_203 = tpu.memref_squeeze %dma_start3A_202 : memref<1x128x64xf32, #tpu.memory_space<vmem>> -> memref<128x64xf32, #tpu.memory_space<vmem>>
        tpu.enqueue_dma source(%dma_start3A_203 : memref<128x64xf32, #tpu.memory_space<vmem>>) target(%dma_start3A_199 : memref<128x64xf32, #tpu.memory_space<hbm>>) target_semaphore(%arg11 : memref<!tpu.dma_semaphore, #tpu.memory_space<semaphore_mem>>)
      } else {
      }
      %add3A_137 = arith.constant 1 : i32
      %add3A_138 = arith.addi %add3A_131, %add3A_137 : i32
      %lt3A_139 = arith.constant 80 : i32
      %lt3A_140 = arith.cmpi slt, %add3A_138, %lt3A_139 : i32
      %convert_element_type3A_141 = arith.extui %lt3A_140 : i1 to i32
      %cond3A_142 = arith.constant 0 : i32
      %cond3A_143 = arith.cmpi ne, %convert_element_type3A_141, %cond3A_142 : i32
      scf.if %cond3A_143 {
        %add3A_175 = arith.constant 1 : i32
        %add3A_176 = arith.addi %add3A_131, %add3A_175 : i32
        %add3A_177 = arith.addi %mul3A_2, %add3A_176 : i32
        %dma_start3A_178 = arith.constant 0 : i32
        %dma_start3A_179 = arith.constant 0 : i32
        %dma_start3A_180 = tpu.memref_slice %arg5[%dma_start3A_178, %dma_start3A_179] : memref<2x128xi32, #tpu.memory_space<vmem>> -> memref<1x128xi32, #tpu.memory_space<vmem>>
        %dma_start3A_181 = tpu.memref_squeeze %dma_start3A_180 : memref<1x128xi32, #tpu.memory_space<vmem>> -> memref<128xi32, #tpu.memory_space<vmem>>
        %dma_start3A_182 = arith.constant 0 : i32
        %dma_start3A_183 = tpu.memref_slice %arg3[%add3A_177, %dma_start3A_182] : memref<2560x128xi32, #tpu.memory_space<hbm>> -> memref<1x128xi32, #tpu.memory_space<hbm>>
        %dma_start3A_184 = tpu.memref_squeeze %dma_start3A_183 : memref<1x128xi32, #tpu.memory_space<hbm>> -> memref<128xi32, #tpu.memory_space<hbm>>
        %dma_start3A_185 = arith.constant 0 : i32
        %dma_start3A_186 = tpu.memref_slice %arg5[%dma_start3A_178, %dma_start3A_185] : memref<2x128xi32, #tpu.memory_space<vmem>> -> memref<1x128xi32, #tpu.memory_space<vmem>>
        %dma_start3A_187 = tpu.memref_squeeze %dma_start3A_186 : memref<1x128xi32, #tpu.memory_space<vmem>> -> memref<128xi32, #tpu.memory_space<vmem>>
        %dma_start3A_188 = arith.constant 0 : i32
        %dma_start3A_189 = tpu.memref_slice %arg3[%add3A_177, %dma_start3A_188] : memref<2560x128xi32, #tpu.memory_space<hbm>> -> memref<1x128xi32, #tpu.memory_space<hbm>>
        %dma_start3A_190 = tpu.memref_squeeze %dma_start3A_189 : memref<1x128xi32, #tpu.memory_space<hbm>> -> memref<128xi32, #tpu.memory_space<hbm>>
        tpu.enqueue_dma source(%dma_start3A_190 : memref<128xi32, #tpu.memory_space<hbm>>) target(%dma_start3A_187 : memref<128xi32, #tpu.memory_space<vmem>>) target_semaphore(%arg7 : memref<!tpu.dma_semaphore, #tpu.memory_space<semaphore_mem>>)
      } else {
      }
      %add3A_144 = arith.addi %mul3A_2, %add3A_131 : i32
      %dma_wait3A_145 = arith.constant 1 : i32
      %dma_wait3A_146 = arith.constant 0 : i32
      %dma_wait3A_147 = tpu.memref_slice %arg5[%dma_wait3A_145, %dma_wait3A_146] : memref<2x128xi32, #tpu.memory_space<vmem>> -> memref<1x128xi32, #tpu.memory_space<vmem>>
      %dma_wait3A_148 = tpu.memref_squeeze %dma_wait3A_147 : memref<1x128xi32, #tpu.memory_space<vmem>> -> memref<128xi32, #tpu.memory_space<vmem>>
      %dma_wait3A_149 = arith.constant 0 : i32
      %dma_wait3A_150 = tpu.memref_slice %arg3[%add3A_144, %dma_wait3A_149] : memref<2560x128xi32, #tpu.memory_space<hbm>> -> memref<1x128xi32, #tpu.memory_space<hbm>>
      %dma_wait3A_151 = tpu.memref_squeeze %dma_wait3A_150 : memref<1x128xi32, #tpu.memory_space<hbm>> -> memref<128xi32, #tpu.memory_space<hbm>>
      %dma_wait3A_152 = arith.constant 0 : i32
      %dma_wait3A_153 = tpu.memref_slice %arg5[%dma_wait3A_145, %dma_wait3A_152] : memref<2x128xi32, #tpu.memory_space<vmem>> -> memref<1x128xi32, #tpu.memory_space<vmem>>
      %dma_wait3A_154 = tpu.memref_squeeze %dma_wait3A_153 : memref<1x128xi32, #tpu.memory_space<vmem>> -> memref<128xi32, #tpu.memory_space<vmem>>
      %dma_wait3A_155 = arith.constant 0 : i32
      %dma_wait3A_156 = tpu.memref_slice %arg3[%add3A_144, %dma_wait3A_155] : memref<2560x128xi32, #tpu.memory_space<hbm>> -> memref<1x128xi32, #tpu.memory_space<hbm>>
      %dma_wait3A_157 = tpu.memref_squeeze %dma_wait3A_156 : memref<1x128xi32, #tpu.memory_space<hbm>> -> memref<128xi32, #tpu.memory_space<hbm>>
      tpu.wait_dma2 semaphore(%arg8 : memref<!tpu.dma_semaphore, #tpu.memory_space<semaphore_mem>>) src(%dma_wait3A_157 : memref<128xi32, #tpu.memory_space<hbm>>) dst(%dma_wait3A_154 : memref<128xi32, #tpu.memory_space<vmem>>)
      %ge3A_158 = arith.constant 2 : i32
      %ge3A_159 = arith.cmpi sge, %add3A_131, %ge3A_158 : i32
      %convert_element_type3A_160 = arith.extui %ge3A_159 : i1 to i32
      %cond3A_161 = arith.constant 0 : i32
      %cond3A_162 = arith.cmpi ne, %convert_element_type3A_160, %cond3A_161 : i32
      scf.if %cond3A_162 {
        %sub3A = arith.constant 2 : i32
        %sub3A_175 = arith.subi %add3A_131, %sub3A : i32
        %add3A_176 = arith.addi %mul3A_2, %sub3A_175 : i32
        %mul3A_177 = arith.constant 128 : i32
        %mul3A_178 = arith.muli %add3A_176, %mul3A_177 : i32
        %dma_wait3A_179 = arith.constant 1 : i32
        %dma_wait3A_180 = arith.constant 0 : i32
        %dma_wait3A_181 = arith.constant 0 : i32
        %dma_wait3A_182 = tpu.memref_slice %arg6[%dma_wait3A_179, %dma_wait3A_180, %dma_wait3A_181] : memref<2x128x128xf32, #tpu.memory_space<vmem>> -> memref<1x128x64xf32, #tpu.memory_space<vmem>>
        %dma_wait3A_183 = tpu.memref_squeeze %dma_wait3A_182 : memref<1x128x64xf32, #tpu.memory_space<vmem>> -> memref<128x64xf32, #tpu.memory_space<vmem>>
        %dma_wait3A_184 = arith.constant 0 : i32
        %dma_wait3A_185 = tpu.memref_slice %arg4[%mul3A_178, %dma_wait3A_184] : memref<327680x64xf32, #tpu.memory_space<hbm>> -> memref<128x64xf32, #tpu.memory_space<hbm>>
        %dma_wait3A_186 = arith.constant 0 : i32
        %dma_wait3A_187 = tpu.memref_slice %arg4[%mul3A_178, %dma_wait3A_186] : memref<327680x64xf32, #tpu.memory_space<hbm>> -> memref<128x64xf32, #tpu.memory_space<hbm>>
        %dma_wait3A_188 = arith.constant 0 : i32
        %dma_wait3A_189 = arith.constant 0 : i32
        %dma_wait3A_190 = tpu.memref_slice %arg6[%dma_wait3A_179, %dma_wait3A_188, %dma_wait3A_189] : memref<2x128x128xf32, #tpu.memory_space<vmem>> -> memref<1x128x64xf32, #tpu.memory_space<vmem>>
        %dma_wait3A_191 = tpu.memref_squeeze %dma_wait3A_190 : memref<1x128x64xf32, #tpu.memory_space<vmem>> -> memref<128x64xf32, #tpu.memory_space<vmem>>
        tpu.wait_dma2 semaphore(%arg12 : memref<!tpu.dma_semaphore, #tpu.memory_space<semaphore_mem>>) src(%dma_wait3A_191 : memref<128x64xf32, #tpu.memory_space<vmem>>) dst(%dma_wait3A_187 : memref<128x64xf32, #tpu.memory_space<hbm>>)
      } else {
      }
      %dma_start3A_163 = arith.constant 1 : i32
      %dma_start3A_164 = arith.constant 1 : i32
      %dma_start3A_165 = arith.constant 0 : i32
      %dma_start3A_166 = arith.constant 0 : i32
      %dma_start3A_167 = tpu.memref_slice %arg6[%dma_start3A_164, %dma_start3A_165, %dma_start3A_166] : memref<2x128x128xf32, #tpu.memory_space<vmem>> -> memref<1x128x128xf32, #tpu.memory_space<vmem>>
      %dma_start3A_168 = tpu.memref_squeeze %dma_start3A_167 : memref<1x128x128xf32, #tpu.memory_space<vmem>> -> memref<128x128xf32, #tpu.memory_space<vmem>>
      %dma_start3A_169 = arith.constant 0 : i32
      %dma_start3A_170 = tpu.memref_slice %arg5[%dma_start3A_163, %dma_start3A_169] : memref<2x128xi32, #tpu.memory_space<vmem>> -> memref<1x128xi32, #tpu.memory_space<vmem>>
      %dma_start3A_171 = tpu.memref_squeeze %dma_start3A_170 : memref<1x128xi32, #tpu.memory_space<vmem>> -> memref<128xi32, #tpu.memory_space<vmem>>
      %dma_start3A_172 = arith.constant 0 : i32
      %dma_start3A_173 = arith.constant 0 : i32
      %dma_start3A_174 = tpu.memref_slice %arg2[%dma_start3A_172, %dma_start3A_173] : memref<1000008x128xf32, #tpu.memory_space<hbm>> -> memref<1000008x128xf32, #tpu.memory_space<hbm>>
      tpu.enqueue_indirect_dma source(%dma_start3A_174 : memref<1000008x128xf32, #tpu.memory_space<hbm>>) target(%dma_start3A_168 : memref<128x128xf32, #tpu.memory_space<vmem>>) offsets(%dma_start3A_171 : memref<128xi32, #tpu.memory_space<vmem>>) semaphore(%arg10 : memref<!tpu.dma_semaphore, #tpu.memory_space<semaphore_mem>>)
    }
    %scan3A_21 = arith.constant 40 : i32
    %dma_wait3A = arith.constant 1 : i32
    %dma_wait3A_22 = arith.constant 1 : i32
    %dma_wait3A_23 = arith.constant 0 : i32
    %dma_wait3A_24 = arith.constant 0 : i32
    %dma_wait3A_25 = tpu.memref_slice %arg6[%dma_wait3A_22, %dma_wait3A_23, %dma_wait3A_24] : memref<2x128x128xf32, #tpu.memory_space<vmem>> -> memref<1x128x128xf32, #tpu.memory_space<vmem>>
    %dma_wait3A_26 = tpu.memref_squeeze %dma_wait3A_25 : memref<1x128x128xf32, #tpu.memory_space<vmem>> -> memref<128x128xf32, #tpu.memory_space<vmem>>
    %dma_wait3A_27 = arith.constant 0 : i32
    %dma_wait3A_28 = tpu.memref_slice %arg5[%dma_wait3A, %dma_wait3A_27] : memref<2x128xi32, #tpu.memory_space<vmem>> -> memref<1x128xi32, #tpu.memory_space<vmem>>
    %dma_wait3A_29 = tpu.memref_squeeze %dma_wait3A_28 : memref<1x128xi32, #tpu.memory_space<vmem>> -> memref<128xi32, #tpu.memory_space<vmem>>
    %dma_wait3A_30 = arith.constant 0 : i32
    %dma_wait3A_31 = arith.constant 0 : i32
    %dma_wait3A_32 = tpu.memref_slice %arg2[%dma_wait3A_30, %dma_wait3A_31] : memref<1000008x128xf32, #tpu.memory_space<hbm>> -> memref<1000008x128xf32, #tpu.memory_space<hbm>>
    tpu.wait_indirect_dma semaphore(%arg10 : memref<!tpu.dma_semaphore, #tpu.memory_space<semaphore_mem>>) src(%dma_wait3A_32 : memref<1000008x128xf32, #tpu.memory_space<hbm>>) dst(%dma_wait3A_26 : memref<128x128xf32, #tpu.memory_space<vmem>>)
    %add3A_33 = arith.constant 79 : i32
    %add3A_34 = arith.addi %mul3A_2, %add3A_33 : i32
    %mul3A_35 = arith.constant 128 : i32
    %mul3A_36 = arith.muli %add3A_34, %mul3A_35 : i32
    %dma_start3A_37 = arith.constant 1 : i32
    %dma_start3A_38 = arith.constant 0 : i32
    %dma_start3A_39 = arith.constant 0 : i32
    %dma_start3A_40 = tpu.memref_slice %arg6[%dma_start3A_37, %dma_start3A_38, %dma_start3A_39] : memref<2x128x128xf32, #tpu.memory_space<vmem>> -> memref<1x128x64xf32, #tpu.memory_space<vmem>>
    %dma_start3A_41 = tpu.memref_squeeze %dma_start3A_40 : memref<1x128x64xf32, #tpu.memory_space<vmem>> -> memref<128x64xf32, #tpu.memory_space<vmem>>
    %dma_start3A_42 = arith.constant 0 : i32
    %dma_start3A_43 = tpu.memref_slice %arg4[%mul3A_36, %dma_start3A_42] : memref<327680x64xf32, #tpu.memory_space<hbm>> -> memref<128x64xf32, #tpu.memory_space<hbm>>
    %dma_start3A_44 = arith.constant 0 : i32
    %dma_start3A_45 = tpu.memref_slice %arg4[%mul3A_36, %dma_start3A_44] : memref<327680x64xf32, #tpu.memory_space<hbm>> -> memref<128x64xf32, #tpu.memory_space<hbm>>
    %dma_start3A_46 = arith.constant 0 : i32
    %dma_start3A_47 = arith.constant 0 : i32
    %dma_start3A_48 = tpu.memref_slice %arg6[%dma_start3A_37, %dma_start3A_46, %dma_start3A_47] : memref<2x128x128xf32, #tpu.memory_space<vmem>> -> memref<1x128x64xf32, #tpu.memory_space<vmem>>
    %dma_start3A_49 = tpu.memref_squeeze %dma_start3A_48 : memref<1x128x64xf32, #tpu.memory_space<vmem>> -> memref<128x64xf32, #tpu.memory_space<vmem>>
    tpu.enqueue_dma source(%dma_start3A_49 : memref<128x64xf32, #tpu.memory_space<vmem>>) target(%dma_start3A_45 : memref<128x64xf32, #tpu.memory_space<hbm>>) target_semaphore(%arg12 : memref<!tpu.dma_semaphore, #tpu.memory_space<semaphore_mem>>)
    %add3A_50 = arith.constant 78 : i32
    %add3A_51 = arith.addi %mul3A_2, %add3A_50 : i32
    %mul3A_52 = arith.constant 128 : i32
    %mul3A_53 = arith.muli %add3A_51, %mul3A_52 : i32
    %dma_wait3A_54 = arith.constant 0 : i32
    %dma_wait3A_55 = arith.constant 0 : i32
    %dma_wait3A_56 = arith.constant 0 : i32
    %dma_wait3A_57 = tpu.memref_slice %arg6[%dma_wait3A_54, %dma_wait3A_55, %dma_wait3A_56] : memref<2x128x128xf32, #tpu.memory_space<vmem>> -> memref<1x128x64xf32, #tpu.memory_space<vmem>>
    %dma_wait3A_58 = tpu.memref_squeeze %dma_wait3A_57 : memref<1x128x64xf32, #tpu.memory_space<vmem>> -> memref<128x64xf32, #tpu.memory_space<vmem>>
    %dma_wait3A_59 = arith.constant 0 : i32
    %dma_wait3A_60 = tpu.memref_slice %arg4[%mul3A_53, %dma_wait3A_59] : memref<327680x64xf32, #tpu.memory_space<hbm>> -> memref<128x64xf32, #tpu.memory_space<hbm>>
    %dma_wait3A_61 = arith.constant 0 : i32
    %dma_wait3A_62 = tpu.memref_slice %arg4[%mul3A_53, %dma_wait3A_61] : memref<327680x64xf32, #tpu.memory_space<hbm>> -> memref<128x64xf32, #tpu.memory_space<hbm>>
    %dma_wait3A_63 = arith.constant 0 : i32
    %dma_wait3A_64 = arith.constant 0 : i32
    %dma_wait3A_65 = tpu.memref_slice %arg6[%dma_wait3A_54, %dma_wait3A_63, %dma_wait3A_64] : memref<2x128x128xf32, #tpu.memory_space<vmem>> -> memref<1x128x64xf32, #tpu.memory_space<vmem>>
    %dma_wait3A_66 = tpu.memref_squeeze %dma_wait3A_65 : memref<1x128x64xf32, #tpu.memory_space<vmem>> -> memref<128x64xf32, #tpu.memory_space<vmem>>
    tpu.wait_dma2 semaphore(%arg11 : memref<!tpu.dma_semaphore, #tpu.memory_space<semaphore_mem>>) src(%dma_wait3A_66 : memref<128x64xf32, #tpu.memory_space<vmem>>) dst(%dma_wait3A_62 : memref<128x64xf32, #tpu.memory_space<hbm>>)
    %add3A_67 = arith.constant 79 : i32
    %add3A_68 = arith.addi %mul3A_2, %add3A_67 : i32
    %mul3A_69 = arith.constant 128 : i32
    %mul3A_70 = arith.muli %add3A_68, %mul3A_69 : i32
    %dma_wait3A_71 = arith.constant 1 : i32
    %dma_wait3A_72 = arith.constant 0 : i32
    %dma_wait3A_73 = arith.constant 0 : i32
    %dma_wait3A_74 = tpu.memref_slice %arg6[%dma_wait3A_71, %dma_wait3A_72, %dma_wait3A_73] : memref<2x128x128xf32, #tpu.memory_space<vmem>> -> memref<1x128x64xf32, #tpu.memory_space<vmem>>
    %dma_wait3A_75 = tpu.memref_squeeze %dma_wait3A_74 : memref<1x128x64xf32, #tpu.memory_space<vmem>> -> memref<128x64xf32, #tpu.memory_space<vmem>>
    %dma_wait3A_76 = arith.constant 0 : i32
    %dma_wait3A_77 = tpu.memref_slice %arg4[%mul3A_70, %dma_wait3A_76] : memref<327680x64xf32, #tpu.memory_space<hbm>> -> memref<128x64xf32, #tpu.memory_space<hbm>>
    %dma_wait3A_78 = arith.constant 0 : i32
    %dma_wait3A_79 = tpu.memref_slice %arg4[%mul3A_70, %dma_wait3A_78] : memref<327680x64xf32, #tpu.memory_space<hbm>> -> memref<128x64xf32, #tpu.memory_space<hbm>>
    %dma_wait3A_80 = arith.constant 0 : i32
    %dma_wait3A_81 = arith.constant 0 : i32
    %dma_wait3A_82 = tpu.memref_slice %arg6[%dma_wait3A_71, %dma_wait3A_80, %dma_wait3A_81] : memref<2x128x128xf32, #tpu.memory_space<vmem>> -> memref<1x128x64xf32, #tpu.memory_space<vmem>>
    %dma_wait3A_83 = tpu.memref_squeeze %dma_wait3A_82 : memref<1x128x64xf32, #tpu.memory_space<vmem>> -> memref<128x64xf32, #tpu.memory_space<vmem>>
    tpu.wait_dma2 semaphore(%arg12 : memref<!tpu.dma_semaphore, #tpu.memory_space<semaphore_mem>>) src(%dma_wait3A_83 : memref<128x64xf32, #tpu.memory_space<vmem>>) dst(%dma_wait3A_79 : memref<128x64xf32, #tpu.memory_space<hbm>>)
    return
  }
}

</mosaic_0001>

<sc_bundles>
// kernel: kernel.3.cloned.1.call-start
scs
__scs_entry_jumppad:
0x0: {  	(pc) =	sbr.rel $0x88, $3  }
0x1: {  	(tag) =	ssettag $0x0;
	lr =	simm.s32 $0x1  }
0x2: {  	[smem:$0x3F9F] =	sst lr;
	_ =	strace $0xD0000000  }
0x3: {  	_ = 	snop  }
0x4: {  	_ = 	snop  }
0x5: {  	_ = 	snop  }
0x6: {  	_ = 	snop  }
0x7: {  	_ = 	snop  }
__scs_overlays_trampoline_lowered:
0x8: {  	[smem:$0x3FAE] =	sst s0  }
0x9: {  	[smem:$0x3FAF] =	sst s1  }
0xa: {  	[smem:$0x3FB0] =	sst s2  }
0xb: {  	[smem:$0x3FB1] =	sst s3  }
0xc: {  	[smem:$0x3FB2] =	sst s4  }
0xd: {  	[smem:$0x3FB3] =	sst s5  }
0xe: {  	[smem:$0x3FB4] =	sst s6  }
0xf: {  	[smem:$0x3FB5] =	sst s7  }
0x10: {  	[smem:$0x3FB6] =	sst s8  }
0x11: {  	[smem:$0x3FB7] =	sst s9;
	s0 =	simm.s32 @!p0 $0x0  }
0x12: {  	s1 =	sld [smem:$0x3F9D];
	s0 =	simm.s32 @p0 $0x1  }
0x13: {  	[smem:$0x3FB8] =	sst s0;
	s0 =	simm.s32 @!p1 $0x0  }
0x14: {  	s2 =	sld [smem:$0x3F9C];
	s0 =	simm.s32 @p1 $0x1  }
0x15: {  	[smem:$0x3FB9] =	sst s0;
	s0 =	simm.s32 @!p2 $0x0  }
0x16: {  	s3 =	sld [smem:$0x3FDB];
	s0 =	simm.s32 @p2 $0x1  }
0x17: {  	s4 =	simm.s32 $0x1BF5;
	[smem:$0x3FBB] =	sst s0  }
0x18: {  	s0 =	sld [smem:$0x3F9E];
	_ =	swait.ge [sflag:s4], $0x0  }
0x19: {  	s7 =	sld [smem:$0x3F9F]  }
0x1a: {  	s8 =	sadd.s32 $0xFFFFE003, lr  }
0x1b: {  	s9 =	sadd.s32 $0xFFFFFEF7, lr;
	s5 =	simm.s32 $0xFFFFFFFF;
	p2 =	slt.u32 s8, $0xFFFFF086  }
0x1c: {  	p1 =	slt.u32 s9, $0xF7A;
	s5 =	simm.s32 @!p2 $0x0  }
0x1d: {  	s5 =	simm.s32 @p1 $0x1;
	p0 =	seq.s32 s7, s2  }
0x1e: {  	s7 =	smul.u32 @!p0 $0xF7A, s2;
	p2 =	seq.s32 @!p0 s5, $0x0  }
0x1f: {  	s9 =	smul.u32 $0xF7A, s1;
	s8 =	simm.s32 @!p0 $0x1BF5;
	p2 =	por !p2, p0  }
0x20: {  	[sflag:s8] =	ssyncset.s32 @!p0 $0xFFFFF086;
	s6 =	sadd.s32 @!p0 s3, s7;
	s7 =	simm.s32 @!p0 $0x108  }
0x21: {  	s3 =	sadd.s32 s3, s9;
	s6 =	sadd.s32 @!p0 $0x88, s6;
	s7 =	simm.s32 @p2 $0x1082  }
0x22: {  	[simem:s7], [sflag:s8] =	dma.local @!p0 [hbm:s6], $0xF7A  }
0x23: {  	s9 =	sor.u32 $0xD0000000, s2;
	s6 =	simm.s32 $0x108;
	_ =	swait.ge @!p0 [sflag:s8], $0x0  }
0x24: {  	s3 =	sadd.s32 $0x88, s3;
	s6 =	simm.s32 @!p1 $0x1082;
	[sflag:s4] =	ssyncset.s32 $0xFFFFF086  }
0x25: {  	[simem:s6], [sflag:s4] =	dma.local [hbm:s3], $0xF7A  }
0x26: {  	[smem:$0x3F9F] =	sst s1;
	(tag) =	ssettag s2;
	_ =	strace s9  }
0x27: {  	s1 =	sld [smem:$0x3FAF]  }
0x28: {  	s2 =	sld [smem:$0x3FB0]  }
0x29: {  	s4 =	sld [smem:$0x3FB2]  }
0x2a: {  	p0 =	seq.s32 s5, $0x0;
	s5 =	sld [smem:$0x3FB3]  }
0x2b: {  	s6 =	sld [smem:$0x3FB4]  }
0x2c: {  	s7 =	sld [smem:$0x3FB5]  }
0x2d: {  	s3 =	simm.s32 $0x108;
	s8 =	sld [smem:$0x3FB6]  }
0x2e: {  	s3 =	simm.s32 @!p0 $0x1082;
	s9 =	sld [smem:$0x3FB7]  }
0x2f: {  	lr =	sadd.s32 s0, s3;
	s0 =	sld [smem:$0x3FAE]  }
0x30: {  	s3 =	sld [smem:$0x3FB1]  }
0x31: {  	[smem:$0x3FBA] =	sst s10  }
0x32: {  	s10 =	sld [smem:$0x3FB8];
	_ =	sdelay $0x3  }
0x33: {  	p0 =	seq.s32 s10, $0x1;
	s10 =	sld [smem:$0x3FBA];
	_ =	sdelay $0x3  }
0x34: {  	[smem:$0x3FBA] =	sst s10  }
0x35: {  	s10 =	sld [smem:$0x3FB9];
	_ =	sdelay $0x3  }
0x36: {  	p1 =	seq.s32 s10, $0x1;
	s10 =	sld [smem:$0x3FBA];
	_ =	sdelay $0x3  }
0x37: {  	[smem:$0x3FBA] =	sst s10  }
0x38: {  	s10 =	sld [smem:$0x3FBB]  }
0x39: {  	_ = 	snop;
	(pc) =	sbr.ind lr, $3  }
0x3a: {  	_ = 	snop  }
0x3b: {  	_ = 	snop  }
0x3c: {  	p2 =	seq.s32 s10, $0x1;
	s10 =	sld [smem:$0x3FBA]  }
0x3d: {  	_ =	shalt  }
0x3e: {  	_ =	shalt  }
0x3f: {  	_ =	shalt  }
0x40: {  	_ =	shalt  }
0x41: {  	_ =	shalt  }
0x42: {  	_ =	shalt  }
0x43: {  	_ =	shalt  }
0x44: {  	_ =	shalt  }
0x45: {  	_ =	shalt  }
0x46: {  	_ =	shalt  }
0x47: {  	_ =	shalt  }
0x48: {  	_ =	shalt  }
0x49: {  	_ =	shalt  }
0x4a: {  	_ =	shalt  }
0x4b: {  	_ =	shalt  }
0x4c: {  	_ =	shalt  }
0x4d: {  	_ =	shalt  }
0x4e: {  	_ =	shalt  }
0x4f: {  	_ =	shalt  }
0x50: {  	_ =	shalt  }
0x51: {  	_ =	shalt  }
0x52: {  	_ =	shalt  }
0x53: {  	_ =	shalt  }
0x54: {  	_ =	shalt  }
0x55: {  	_ =	shalt  }
0x56: {  	_ =	shalt  }
0x57: {  	_ =	shalt  }
0x58: {  	_ =	shalt  }
0x59: {  	_ =	shalt  }
0x5a: {  	_ =	shalt  }
0x5b: {  	_ =	shalt  }
0x5c: {  	_ =	shalt  }
0x5d: {  	_ =	shalt  }
0x5e: {  	_ =	shalt  }
0x5f: {  	_ =	shalt  }
0x60: {  	_ =	shalt  }
0x61: {  	_ =	shalt  }
0x62: {  	_ =	shalt  }
0x63: {  	_ =	shalt  }
0x64: {  	_ =	shalt  }
0x65: {  	_ =	shalt  }
0x66: {  	_ =	shalt  }
0x67: {  	_ =	shalt  }
0x68: {  	_ =	shalt  }
0x69: {  	_ =	shalt  }
0x6a: {  	_ =	shalt  }
0x6b: {  	_ =	shalt  }
0x6c: {  	_ =	shalt  }
0x6d: {  	_ =	shalt  }
0x6e: {  	_ =	shalt  }
0x6f: {  	_ =	shalt  }
0x70: {  	_ =	shalt  }
0x71: {  	_ =	shalt  }
0x72: {  	_ =	shalt  }
0x73: {  	_ =	shalt  }
0x74: {  	_ =	shalt  }
0x75: {  	_ =	shalt  }
0x76: {  	_ =	shalt  }
0x77: {  	_ =	shalt  }
0x78: {  	_ =	shalt  }
0x79: {  	_ =	shalt  }
0x7a: {  	_ =	shalt  }
0x7b: {  	_ =	shalt  }
0x7c: {  	_ =	shalt  }
0x7d: {  	_ =	shalt  }
0x7e: {  	_ =	shalt  }
0x7f: {  	_ =	shalt  }
0x80: {  	_ =	shalt  }
0x81: {  	_ =	shalt  }
0x82: {  	_ =	shalt  }
0x83: {  	_ =	shalt  }
0x84: {  	_ =	shalt  }
0x85: {  	_ =	shalt  }
0x86: {  	_ =	shalt  }
0x87: {  	_ =	shalt  }
.Lfunc_end0:
.L_simem_size_0:
called_computation.1_lowered:
.L_overlay_start_0:
0x88: {  	s2 =	sld [smem:$0x3FD9]  }
0x89: {  	s3 =	sld [smem:$0x3FFE];
	_ =	sdelay $0x1  }
0x8a: {  	s1 =	srdreg.scid  }
0x8b: {  	s0 =	sand.u32 $0x1, s1  }
0x8c: {  	s17 =	sshll.u32 s0, $0xA;
	s2 =	sadd.s32 s3, s2  }
0x8d: {  	s2 =	sadd.s32 s2, s17  }
0x8e: {  	[smem:$0x3FC6] =	sst s2  }
0x8f: {  	_ = 	snop  }
0x90: {  	s2 =	sld [smem:$0x3FD0];
	(tm) =	ssettm $0x1  }
0x91: {  	s18 =	sld [smem:$0x3FFB];
	_ =	sdelay $0x3  }
0x92: {  	_ =	strace s18  }
0x93: {  	s3 =	sld [smem:$0x3FFC];
	_ =	sdelay $0x3  }
0x94: {  	_ =	strace s3  }
0x95: {  	s3 =	sld [smem:$0x3FFD];
	_ =	sdelay $0x3  }
0x96: {  	_ =	strace s3  }
0x97: {  	_ =	strace $0x8FFFFFFF  }
0x98: {  	s19 =	sld [smem:$0x3FDB];
	_ =	sdelay $0x1  }
0x99: {  	s4 =	simm.s32 $_scs_section_size  }
0x9a: {  	s5 =	simm.s32 $_size__tile_overlayer_lowered;
	s6 =	simm.s32 $_tile_overlayer_lowered  }
0x9b: {  	s22 =	simm.s32 $0x1BFF;
	s21 =	sshll.u32 s6, $0x1;
	s3 =	sadd.s32 s4, s19  }
0x9c: {  	s7 =	simm.s32 $0x0;
	s20 =	sshll.u32 s5, $0x1;
	s5 =	sadd.s32 s21, s3  }
0x9d: {  	[timem:s7], [sflag:s22] =	dma.local [hbm:s5], s20  }
0x9e: {  	_ =	swait.ge [sflag:s22], s20  }
0x9f: {  	s4 =	ssub.s32 $0x0, s20;
	[sflag:s22] =	ssyncset.done $0x0  }
0xa0: {  	[sflag:s22] =	ssyncadd.s32 s4;
	_ =	sdelay $0x1  }
0xa1: {  	s23 =	simm.s32 $0x1B8B  }
0xa2: {  	_ =	swait.ge [sflag:s23], $0x1  }
0xa3: {  	[sflag:s23] =	ssyncset.done $0x0  }
0xa4: {  	s25 =	simm.s32 $0x1B8E;
	s24 =	sld [smem:$0x3FFE];
	[sflag:s23] =	ssyncadd.s32 $0xFFFFFFFF  }
0xa5: {  	s26 =	simm.s32 $execute0_lowered;
	[smem:$0x3FD2] =	sst s25  }
0xa6: {  	s5 =	sshll.u32 s26, $0x1;
	_ =	strace $0x80000046;
	[dreg:$0x1] =	wrdreg $0xFFFFFFFF  }
0xa7: {  	s28 =	simm.s32 $_size_execute0_lowered;
	s3 =	sadd.s32 s3, s5;
	[dreg:$0x0] =	wrdreg $0x0  }
0xa8: {  	s5 =	sshll.u32 s28, $0x1;
	[dreg:$0x2] =	wrdreg s3  }
0xa9: {  	[dreg:$0x3] =	wrdreg s5  }
0xaa: {  	[dreg:$0x4] =	wrdreg $0xC0  }
0xab: {  	_ =	task [dreg:s7], $0x5FFFF  }
0xac: {  	[dreg:$0x1] =	wrdreg $0xFFFFFFFF  }
0xad: {  	[dreg:$0x0] =	wrdreg $0x60  }
0xae: {  	[dreg:$0x2] =	wrdreg s24  }
0xaf: {  	[dreg:$0x3] =	wrdreg s2  }
0xb0: {  	[dreg:$0x4] =	wrdreg $0x9  }
0xb1: {  	_ =	task.clear_ibuf [dreg:s7], $0x5FFFF;
	_ =	strace $0x90000046  }
0xb2: {  	s29 =	simm.s32 $0x9;
	_ =	strace $0x80000048  }
0xb3: {  	_ =	swait.ge [sflag:s29], $0x1  }
0xb4: {  	[sflag:s29] =	ssyncadd.s32 $0xFFFFFFFF  }
0xb5: {  	_ =	strace $0x90000048  }
0xb6: {  	_ =	sfence  }
0xb7: {  	s30 =	sld [smem:$0x0];
	_ =	sdelay $0x2  }
0xb8: {  	s31 =	sshll.u32 s1, $0xD;
	s1 =	sshrl.u32 s1, $0x2  }
0xb9: {  	s3 =	sand.u32 $0x4000, s31;
	s1 =	sadd.s32 s1, s30  }
0xba: {  	s0 =	sor.u32 s3, s0;
	s1 =	sshll.u32 s1, $0x11  }
0xbb: {  	s0 =	sor.u32 s1, s0  }
0xbc: {  	s0 =	sadd.s32 $0x8F2B, s0  }
0xbd: {  	[sflag:s0] =	ssyncadd.remote.s32 $0x1  }
0xbe: {  	_ =	sfence.sel $0xFFFF  }
0xbf: {  	[dreg:$0x0] =	wrdreg $0xFFFFFFFF;
	(pc) =	sbr.abs _section_cstart, $3  }
0xc0: {  	[dreg:$0x1] =	wrdreg $0xFFFFFFFF  }
0xc1: {  	_ =	task.clear_ibuf [dreg:s7], $0x2FFFF;
	_ =	strace $0x9FFFFFFF  }
0xc2: {  	(tm) =	ssettm $0x7FFFFFFF  }
0xc3: {  	_ =	shalt  }
tec
execute0_lowered:
.L_overlay_start_1:
0x0: {  	(tag) =	ssettag $0x1  }
0x1: {  	s5 =	rddreg [dreg:$0x0]  }
0x2: {  	s2 =	rddreg [dreg:$0x1]  }
0x3: {  	s0 =	rddreg [dreg:$0x2]  }
0x4: {  	s4 =	srdreg.scid;
	s1 =	stileid.u32;
	s3 =	simm.s32 $0x0  }
0x5: {  	s13 =	simm.s32 $0x80;
	s14 =	simm.s32 $0x1;
	s15 =	simm.s32 $0x3  }
0x6: {  	s16 =	simm.s32 $0x2;
	s17 =	simm.s32 $0x6;
	s18 =	simm.s32 $0x4100  }
0x7: {  	s19 =	simm.s32 $0x4;
	s6 =	sand.u32 $0x1, s4;
	s30 =	sshll.u32 s1, $0x1  }
0x8: {  	s20 =	simm.s32 $0x5;
	s21 =	simm.s32 $0x0;
	s7 =	sor.u32 s6, s30  }
0x9: {  	[smem:$0x7FF] =	sst s3;
	s4 =	sadd.s32 $0xF4D000, s5;
	s8 =	smul.u32 $0x500, s7  }
0xa: {  	s5 =	sadd.s32 $0xF43000, s5;
	s9 =	ssub.s32 $0x2, s6;
	s10 =	smul.u32 $0xA0000, s7  }
0xb: {  	_ =	strace $0x80000047;
	s11 =	sshrl.u32 s9, $0x1;
	s6 =	smul.u32 $0x50, s7  }
0xc: {  	s12 =	ssub.s32 s9, s11;
	s7 =	sadd.s32 s5, s8;
	s10 =	sshrl.u32 s10, $0x3  }
0xd: {  	s8 =	sadd.s32 $0x7FFFF, s6;
	s9 =	sor.u32 $0x1, s6;
	s31 =	sadd.s32 s2, s10  }
0xe: {  	s12 =	smax.u32 s12, $0x1;
	s10 =	sor.u32 $0x2, s6;
	s11 =	sadd.s32 $0x13C00, s31  }
.LBB2_1:
.Ltmp0:
0xf: {  	(pc) =	sbr.rel .LBB2_2-.Ltmp0, $3  }
0x10: {  	_ =	sdelay $0x1  }
0x11: {  	[tilespmem:s3], [sflag:$0x1] =	stream.linear.gather [hbm4b:s7+s3], $0x80, $0x38;
	[tilespmem:$0x8100] =	vst v63  }
0x12: {  	s22 =	simm.s32 $0x0  }
.LBB2_9:
0x13: {  	_ =	swait.ge [sflag:s16], $0x80  }
0x14: {  	[sflag:s16] =	ssyncset.done $0x0  }
0x15: {  	[sflag:s16] =	ssyncadd.s32 $0xFFFFFF80  }
.LBB2_11:
0x16: {  	_ =	swait.ge [sflag:s17], $0x2000  }
0x17: {  	[sflag:s17] =	ssyncset.done $0x0  }
0x18: {  	[sflag:s17] =	ssyncadd.s32 $0xFFFFE000  }
.LBB2_12:
0x19: {  	s22 =	sadd.s32 $0x1, s22  }
0x1a: {  	p0 =	sne.s32 s22, $0x28  }
.Ltmp1:
0x1b: {  	_ = 	snop;
	(pc) =	sbr.rel @!p0 .LBB2_13-.Ltmp1, $2  }
0x1c: {  	_ =	sdelay $0x2  }
0x1d: {  	[tilespmem:s18], [sflag:$0x4] =	stream.indirect.gather [hbm4b:s4+s13], $0x80, s13, s13, $0xb8;
	[tilespmem:$0x8100] =	vst v63  }
.LBB2_2:
0x1e: {  	p0 =	seq.s32 s22, $0x0  }
.Ltmp2:
0x1f: {  	_ = 	snop;
	(pc) =	sbr.rel @p0 .LBB2_6-.Ltmp2, $2  }
0x20: {  	_ =	sdelay $0x2  }
0x21: {  	s23 =	sshll.u32 s22, $0x1  }
0x22: {  	s24 =	sadd.s32 s23, s8  }
0x23: {  	s24 =	sshll.u32 s24, $0xA  }
0x24: {  	_ =	swait.ge [sflag:s19], $0x4000;
	s25 =	simm.s32 $0x4100;
	s24 =	sand.u32 $0x1FFFFC00, s24  }
0x25: {  	s26 =	simm.s32 $0x8;
	[sflag:s19] =	ssyncset.done $0x0;
	s24 =	sadd.s32 s2, s24  }
0x26: {  	s28 =	simm.s32 $0x4180;
	[sflag:s19] =	ssyncadd.s32 $0xFFFFC000;
	s29 =	sadd.s32 $0x0, s24  }
.LBB2_4:
0x27: {  	[hbm4b:s29+s3] =	stream.linear.scatter [tilespmem:s25], [sflag:$0x6], $0x40, $0x38;
	[tilespmem:$0x8100] =	vst v63  }
0x28: {  	s29 =	smov.u32 s26;
	s25 =	smov.u32 s28;
	p1 =	sne.s32 s26, $0x3F8  }
.Ltmp3:
0x29: {  	s26 =	sadd.s32 $0x8, s26;
	(pc) =	sbr.rel @p1 .LBB2_4-.Ltmp3, $2  }
0x2a: {  	_ =	sdelay $0x2  }
0x2b: {  	s28 =	sadd.s32 $0x80, s28;
	s29 =	sadd.s32 s29, s24  }
0x2c: {  	[hbm4b:s29+s3] =	stream.linear.scatter [tilespmem:s25], [sflag:$0x6], $0x40, $0x38;
	[tilespmem:$0x8100] =	vst v63  }
.LBB2_6:
0x2d: {  	s24 =	sadd.s32 s23, s9  }
0x2e: {  	s24 =	sshll.u32 s24, $0x4  }
0x2f: {  	s24 =	sand.u32 $0x1FFFFFF0, s24  }
0x30: {  	s24 =	sadd.s32 s5, s24  }
0x31: {  	[tilespmem:s13], [sflag:$0x2] =	stream.linear.gather [hbm4b:s24+s3], $0x80, $0x38;
	[tilespmem:$0x8100] =	vst v63  }
0x32: {  	_ =	swait.ge [sflag:s14], $0x80  }
0x33: {  	[sflag:s14] =	ssyncset.done $0x0  }
0x34: {  	s24 =	simm.s32 @!p0 $0x5;
	[sflag:s14] =	ssyncadd.s32 $0xFFFFFF80  }
0x35: {  	_ =	swait.ge @!p0 [sflag:s24], $0x2000  }
0x36: {  	s25 =	simm.s32 $0x0;
	[sflag:s24] =	ssyncset.done @!p0 $0x0  }
0x37: {  	s31 =	sadd.s32 s6, s23;
	[sflag:s24] =	ssyncadd.s32 @!p0 $0xFFFFE000;
	s24 =	simm.s32 $0x100  }
0x38: {  	[tilespmem:s24], [sflag:$0x3] =	stream.indirect.gather [hbm4b:s4+s13], $0x80, s25, s13, $0xb8;
	[tilespmem:$0x8100] =	vst v63  }
0x39: {  	s25 =	sshll.u32 s31, $0xA;
	_ =	swait.ge [sflag:s15], $0x4000  }
0x3a: {  	s26 =	simm.s32 $0x8;
	s25 =	sadd.s32 s2, s25;
	[sflag:s15] =	ssyncset.done $0x0  }
0x3b: {  	s28 =	simm.s32 $0x180;
	s29 =	sadd.s32 $0x0, s25;
	[sflag:s15] =	ssyncadd.s32 $0xFFFFC000  }
.LBB2_7:
0x3c: {  	[hbm4b:s29+s3] =	stream.linear.scatter [tilespmem:s24], [sflag:$0x5], $0x40, $0x38;
	[tilespmem:$0x8100] =	vst v63  }
0x3d: {  	s29 =	smov.u32 s26;
	s24 =	smov.u32 s28;
	p1 =	sne.s32 s26, $0x3F8  }
.Ltmp4:
0x3e: {  	s26 =	sadd.s32 $0x8, s26;
	(pc) =	sbr.rel @p1 .LBB2_7-.Ltmp4, $2  }
0x3f: {  	_ =	sdelay $0x2  }
0x40: {  	s28 =	sadd.s32 $0x80, s28;
	s29 =	sadd.s32 s29, s25  }
0x41: {  	p1 =	sne.s32 s22, $0x27  }
.Ltmp5:
0x42: {  	_ = 	snop;
	(pc) =	sbr.rel @!p1 .LBB2_9-.Ltmp5, $2  }
0x43: {  	_ =	sdelay $0x2  }
0x44: {  	[hbm4b:s29+s3] =	stream.linear.scatter [tilespmem:s24], [sflag:$0x5], $0x40, $0x38;
	[tilespmem:$0x8100] =	vst v63  }
0x45: {  	s23 =	sadd.s32 s23, s10  }
0x46: {  	s23 =	sshll.u32 s23, $0x4  }
0x47: {  	s23 =	sand.u32 $0x1FFFFFE0, s23  }
0x48: {  	s23 =	sadd.s32 s5, s23  }
0x49: {  	[tilespmem:s3], [sflag:$0x1] =	stream.linear.gather [hbm4b:s23+s3], $0x80, $0x38;
	[tilespmem:$0x8100] =	vst v63  }
.Ltmp6:
0x4a: {  	_ = 	snop;
	(pc) =	sbr.rel @!p0 .LBB2_11-.Ltmp6, $4  }
.Ltmp7:
0x4b: {  	_ = 	snop;
	(pc) =	sbr.rel @p0 .LBB2_12-.Ltmp7, $4  }
0x4c: {  	_ =	swait.ge [sflag:s16], $0x80  }
0x4d: {  	[sflag:s16] =	ssyncset.done $0x0  }
0x4e: {  	[sflag:s16] =	ssyncadd.s32 $0xFFFFFF80  }
0x4f: {  	_ = 	snop  }
.LBB2_13:
0x50: {  	_ =	swait.ge [sflag:s19], $0x4000  }
0x51: {  	s22 =	simm.s32 $0x4100;
	s23 =	simm.s32 $0x8;
	[sflag:s19] =	ssyncset.done $0x0  }
0x52: {  	s25 =	sadd.s32 $0x0, s11;
	s24 =	simm.s32 $0x4180;
	[sflag:s19] =	ssyncadd.s32 $0xFFFFC000  }
.LBB2_14:
0x53: {  	[hbm4b:s25+s3] =	stream.linear.scatter [tilespmem:s22], [sflag:$0x6], $0x40, $0x38;
	[tilespmem:$0x8100] =	vst v63  }
0x54: {  	s25 =	smov.u32 s23;
	s22 =	smov.u32 s24;
	p0 =	sne.s32 s23, $0x3F8  }
.Ltmp8:
0x55: {  	s23 =	sadd.s32 $0x8, s23;
	(pc) =	sbr.rel @p0 .LBB2_14-.Ltmp8, $2  }
0x56: {  	_ =	sdelay $0x2  }
0x57: {  	s24 =	sadd.s32 $0x80, s24;
	s25 =	sadd.s32 s25, s11  }
0x58: {  	[hbm4b:s25+s3] =	stream.linear.scatter [tilespmem:s22], [sflag:$0x6], $0x40, $0x38;
	[tilespmem:$0x8100] =	vst v63  }
0x59: {  	s21 =	sadd.s32 $0x1, s21  }
0x5a: {  	_ =	swait.ge [sflag:s20], $0x2000;
	p0 =	sne.s32 s21, s12  }
.Ltmp9:
0x5b: {  	[sflag:s20] =	ssyncset.done $0x0;
	(pc) =	sbr.rel @p0 .LBB2_1-.Ltmp9, $4  }
0x5c: {  	[sflag:s20] =	ssyncadd.s32 $0xFFFFE000  }
0x5d: {  	_ =	swait.ge [sflag:s17], $0x2000  }
0x5e: {  	[sflag:s17] =	ssyncset.done $0x0  }
0x5f: {  	[sflag:s17] =	ssyncadd.s32 $0xFFFFE000  }
0x60: {  	_ =	sfence.sel $0x180000  }
0x61: {  	[bflag:$0x0] =	sbarrier.arrive $0xFFFF  }
0x62: {  	p0 =	sne.s32 s1, $0x0;
	_ =	strace $0x90000047  }
0x63: {  	s0 =	sadd.s32 @!p0 $0x100000, s0;
	[bflag:$0x2] =	sbarrier.arrive $0xFFFF  }
0x64: {  	[sflag:s0] =	ssyncadd.tile.s32 @!p0 $0x1;
	_ =	shalt  }
.Lfunc_end2:
_tile_overlayer_lowered:
.L_overlay_start_2:
0x65: {  	(tag) =	ssettag $0x2  }
0x66: {  	s0 =	rddreg [dreg:$0x0];
	s2 =	stileid.u32  }
0x67: {  	s1 =	rddreg [dreg:$0x1];
	p0 =	sne.s32 s2, $0x0  }
0x68: {  	s3 =	rddreg [dreg:$0x2];
	[bflag:$0x3] =	sbarrier.arrive $0xFFFF;
	s2 =	simm.s32 @!p0 $0x1C07  }
0x69: {  	[timem:s3], [sflag:s2] =	dma.local @!p0 [hbm:s0], s1  }
0x6a: {  	s0 =	simm.s32 @!p0 $0x7  }
0x6b: {  	_ =	swait.ge @!p0 [sflag:s0], s1  }
0x6c: {  	s1 =	ssub.s32 @!p0 $0x0, s1;
	[sflag:s0] =	ssyncset.done @!p0 $0x0  }
0x6d: {  	[sflag:s0] =	ssyncadd.s32 @!p0 s1  }
0x6e: {  	[bflag:$0x3] =	sbarrier.arrive $0xFFFF  }
0x6f: {  	_ =	shalt  }

// kernel: sparse-core-data-format-call.cloned.1.call-start
scs
called_computation_lowered:
.L_overlay_start_0:
0x0: {  	s2 =	sld [smem:$0x3FD9]  }
0x1: {  	s3 =	sld [smem:$0x3FFE];
	_ =	sdelay $0x1  }
0x2: {  	s1 =	srdreg.scid  }
0x3: {  	s0 =	sand.u32 $0x1, s1  }
0x4: {  	s18 =	sshll.u32 s0, $0xA;
	s2 =	sadd.s32 s3, s2  }
0x5: {  	s2 =	sadd.s32 s2, s18  }
0x6: {  	[smem:$0x3FC6] =	sst s2  }
0x7: {  	_ = 	snop  }
0x8: {  	s2 =	sld [smem:$0x3FD0];
	(tm) =	ssettm $0x1  }
0x9: {  	s19 =	sld [smem:$0x3FFB];
	_ =	sdelay $0x3  }
0xa: {  	_ =	strace s19  }
0xb: {  	s3 =	sld [smem:$0x3FFC];
	_ =	sdelay $0x3  }
0xc: {  	_ =	strace s3  }
0xd: {  	s3 =	sld [smem:$0x3FFD];
	_ =	sdelay $0x3  }
0xe: {  	_ =	strace s3  }
0xf: {  	_ =	strace $0x8FFFFFFF  }
0x10: {  	s20 =	sld [smem:$0x3FDB];
	_ =	sdelay $0x1  }
0x11: {  	s4 =	simm.s32 $_scs_section_size  }
0x12: {  	s5 =	simm.s32 $_size__tile_overlayer_lowered;
	s6 =	simm.s32 $_tile_overlayer_lowered  }
0x13: {  	s23 =	simm.s32 $0x1BFF;
	s22 =	sshll.u32 s6, $0x1;
	s3 =	sadd.s32 s4, s20  }
0x14: {  	s7 =	simm.s32 $0x0;
	s21 =	sshll.u32 s5, $0x1;
	s5 =	sadd.s32 s22, s3  }
0x15: {  	[timem:s7], [sflag:s23] =	dma.local [hbm:s5], s21  }
0x16: {  	_ =	swait.ge [sflag:s23], s21  }
0x17: {  	s4 =	ssub.s32 $0x0, s21;
	[sflag:s23] =	ssyncset.done $0x0  }
0x18: {  	[sflag:s23] =	ssyncadd.s32 s4;
	_ =	sdelay $0x1  }
0x19: {  	s24 =	simm.s32 $0x1B8B  }
0x1a: {  	_ =	swait.ge [sflag:s24], $0x1  }
0x1b: {  	[sflag:s24] =	ssyncset.done $0x0  }
0x1c: {  	s26 =	simm.s32 $0x1B8E;
	s25 =	sld [smem:$0x3FFE];
	[sflag:s24] =	ssyncadd.s32 $0xFFFFFFFF  }
0x1d: {  	s27 =	simm.s32 $execute0_lowered;
	[smem:$0x3FD2] =	sst s26  }
0x1e: {  	s5 =	sshll.u32 s27, $0x1;
	_ =	strace $0x80000049;
	[dreg:$0x1] =	wrdreg $0xFFFFFFFF  }
0x1f: {  	s28 =	simm.s32 $_size_execute0_lowered;
	s3 =	sadd.s32 s3, s5;
	[dreg:$0x0] =	wrdreg $0x0  }
0x20: {  	s5 =	sshll.u32 s28, $0x1;
	[dreg:$0x2] =	wrdreg s3  }
0x21: {  	[dreg:$0x3] =	wrdreg s5  }
0x22: {  	[dreg:$0x4] =	wrdreg $0xC0  }
0x23: {  	_ =	task [dreg:s7], $0x5FFFF  }
0x24: {  	[dreg:$0x1] =	wrdreg $0xFFFFFFFF  }
0x25: {  	[dreg:$0x0] =	wrdreg $0x60  }
0x26: {  	[dreg:$0x2] =	wrdreg s25  }
0x27: {  	[dreg:$0x3] =	wrdreg s2  }
0x28: {  	[dreg:$0x4] =	wrdreg $0x9  }
0x29: {  	_ =	task.clear_ibuf [dreg:s7], $0x5FFFF;
	_ =	strace $0x90000049  }
0x2a: {  	s29 =	simm.s32 $0x9;
	_ =	strace $0x8000004B  }
0x2b: {  	_ =	swait.ge [sflag:s29], $0x1  }
0x2c: {  	[sflag:s29] =	ssyncadd.s32 $0xFFFFFFFF  }
0x2d: {  	_ =	strace $0x9000004B  }
0x2e: {  	_ =	sfence  }
0x2f: {  	s30 =	sld [smem:$0x0];
	_ =	sdelay $0x2  }
0x30: {  	s31 =	sshll.u32 s1, $0xD;
	s1 =	sshrl.u32 s1, $0x2  }
0x31: {  	s3 =	sand.u32 $0x4000, s31;
	s1 =	sadd.s32 s1, s30  }
0x32: {  	s0 =	sor.u32 s3, s0;
	s1 =	sshll.u32 s1, $0x11  }
0x33: {  	s0 =	sor.u32 s1, s0  }
0x34: {  	s0 =	sadd.s32 $0x8F2B, s0  }
0x35: {  	[sflag:s0] =	ssyncadd.remote.s32 $0x1  }
0x36: {  	_ =	sfence.sel $0xFFFF  }
0x37: {  	[dreg:$0x0] =	wrdreg $0xFFFFFFFF;
	(pc) =	sbr.abs _section_cstart, $3  }
0x38: {  	[dreg:$0x1] =	wrdreg $0xFFFFFFFF  }
0x39: {  	_ =	task.clear_ibuf [dreg:s7], $0x2FFFF;
	_ =	strace $0x9FFFFFFF  }
0x3a: {  	(tm) =	ssettm $0x7FFFFFFF  }
0x3b: {  	_ =	shalt  }
tec
execute0_lowered:
.L_overlay_start_1:
0x0: {  	(tag) =	ssettag $0x1  }
0x1: {  	s0 =	srdreg.scid  }
0x2: {  	s1 =	sshll.u32 s0, $0x4  }
0x3: {  	s0 =	stileid.u32;
	s1 =	sand.u32 $0x10, s1  }
0x4: {  	s7 =	rddreg [dreg:$0x0];
	s1 =	sor.u32 s0, s1  }
0x5: {  	s4 =	simm.s32 $0x1;
	s8 =	simm.s32 $0x2;
	s2 =	sshll.u32 s1, $0x7  }
0x6: {  	s13 =	simm.s32 $0x0;
	s9 =	simm.s32 $0x20000;
	s1 =	ssub.s32 $0x4000, s2  }
0x7: {  	s14 =	simm.s32 $0x0;
	s11 =	simm.s32 $0x0;
	s3 =	sand.u32 $0xF80, s1  }
0x8: {  	s12 =	simm.s32 $0x0;
	s5 =	sshrl.u32 s1, $0xC;
	p0 =	sne.s32 s3, $0x0  }
.Ltmp0:
0x9: {  	s1 =	rddreg [dreg:$0x2];
	s4 =	simm.s32 @!p0 $0x0;
	(pc) =	sbr.rel .LBB1_1-.Ltmp0, $4  }
0xa: {  	s6 =	sadd.s32 $0xA00, s7;
	s3 =	rddreg [dreg:$0x1];
	s5 =	sadd.s32 s4, s5  }
0xb: {  	_ =	strace $0x8000004A;
	s4 =	simm.s32 $0x1;
	s5 =	smul.u32 $0xA, s5  }
0xc: {  	s7 =	sadd.s32 $0x40A00, s7;
	s10 =	smov.u32 s2;
	[sflag:s4] =	ssyncpa.u1 $0x0  }
0xd: {  	p0 =	por $0x0, $0x0;
	[sflag:s8] =	ssyncpa.u1 $0x0;
	s8 =	sor.u32 $0x1, s5  }
.LBB1_7:
0xe: {  	s15 =	sadd.s32 $0x1000, s10  }
0xf: {  	s13 =	sadd.s32 $0x2, s11;
	s17 =	smov.u32 s11;
	p2 =	sgt.s32 s15, $0x3FFF  }
0x10: {  	s17 =	smov.u32 @p2 s13  }
0x11: {  	s15 =	smov.u32 @p2 s2;
	p2 =	sgt.s32 s17, $0x13  }
0x12: {  	s17 =	simm.s32 @p2 $0x0;
	p2 =	sne.s32 s12, s8  }
.Ltmp1:
0x13: {  	p1 =	slt.u32 s12, $0x2;
	(pc) =	sbr.rel @!p2 .LBB1_8-.Ltmp1, $4  }
0x14: {  	s16 =	simm.s32 @!p1 $0x2  }
0x15: {  	s14 =	smov.u32 s11;
	p0 =	por !p0, !p0;
	_ =	swait.ge @!p1 [sflag:s16], $0x4000  }
0x16: {  	s13 =	smov.u32 s10;
	[sflag:s16] =	ssyncset.done @!p1 $0x0;
	s10 =	smov.u32 s15  }
0x17: {  	s12 =	sadd.s32 $0x1, s12;
	[sflag:s16] =	ssyncadd.s32 @!p1 $0xFFFFC000;
	s11 =	smov.u32 s17  }
.LBB1_1:
0x18: {  	p1 =	sge.u32 s12, s5  }
0x19: {  	s15 =	sxor.u32 @!p1 $0xFFFFFFFF, s12;
	s16 =	sshll.u32 @!p1 s11, $0x12  }
0x1a: {  	s17 =	sshll.u32 @!p1 s10, $0x4;
	s19 =	simm.s32 @!p1 $0x40;
	s20 =	simm.s32 @!p1 $0x80  }
0x1b: {  	s15 =	sshll.u32 @!p1 s15, $0xE;
	s17 =	sand.u32 @!p1 $0x3FFF0, s17;
	s18 =	sadd.s32 @!p1 s6, s16  }
0x1c: {  	s16 =	sadd.s32 @!p1 s16, s7;
	s15 =	sand.u32 @!p1 $0x4000, s15;
	s18 =	sadd.s32 @!p1 s17, s18  }
0x1d: {  	[tilespmem:s15], [sflag:$0x1] =	stream.strided.gather @!p1 [hbm4b:s18+s19], $0x2000, s20, s19, $0x38;
	[tilespmem:$0x10100] =	vst v63  }
0x1e: {  	s31 =	sadd.s32 $0xFFFFFFFF, s12;
	s16 =	sadd.s32 @!p1 s17, s16;
	s15 =	sor.u32 @!p1 $0x2000, s15  }
0x1f: {  	[tilespmem:s15], [sflag:$0x1] =	stream.strided.gather @!p1 [hbm4b:s16+s19], $0x2000, s20, s19, $0x38;
	[tilespmem:$0x10100] =	vst v63  }
0x20: {  	p1 =	sge.u32 s31, s5  }
.Ltmp2:
0x21: {  	_ = 	snop;
	(pc) =	sbr.rel @p1 .LBB1_7-.Ltmp2, $1  }
0x22: {  	_ =	sdelay $0x3  }
0x23: {  	s15 =	simm.s32 $0x1;
	s17 =	sand.u32 $0x1, s12  }
0x24: {  	_ =	swait.ge [sflag:s4], $0x4000;
	s15 =	simm.s32 @!p0 $0x0;
	s17 =	smul.u32 $0x10200, s17  }
0x25: {  	p2 =	por $0x1, $0x1;
	[sflag:s4] =	ssyncset.done $0x0;
	s16 =	smul.u32 $0x10200, s15  }
0x26: {  	s18 =	sshll.u32 s15, $0x10;
	[sflag:s4] =	ssyncadd.s32 $0xFFFFC000;
	s30 =	sshrl.u32 s17, $0x2  }
0x27: {  	s31 =	sshrl.u32 s18, $0x2;
	s18 =	simm.s32 $0x0;
	s16 =	sshrl.u32 s16, $0x2  }
0x28: {  	s15 =	sor.u32 $0x8000, s30;
	s17 =	sadd.s32 $0x20, s31;
	s16 =	sor.u32 $0x8000, s16  }
.LBB1_3:
0x29: {  	s19 =	sshll.u32 s18, $0xD  }
0x2a: {  	s19 =	sand.u32 $0x3FFFE000, s19  }
0x2b: {  	s21 =	sadd.s32 s19, s17  }
0x2c: {  	s31 =	smul.u32 $0x8100, s18;
	v3 =	vld [tilespmem:s21+$0x10]  }
0x2d: {  	v1 =	vld [tilespmem:s21+$0xFFFFFFF0]  }
0x2e: {  	s18 =	sshra.s32 s31, $0x2;
	v0 =	vld [tilespmem:s21+$0x0]  }
0x2f: {  	s18 =	sadd.s32 s18, s16;
	v2 =	vld [tilespmem:s21+$0xFFFFFFE0]  }
0x30: {  	s19 =	sadd.s32 $0x0, s18  }
0x31: {  	p1 =	por p2, p2;
	s20 =	simm.s32 $0x4;
	s21 =	sadd.s32 $0x40, s21;
	[tilespmem:s19+$0x1830 ss:$0x81] =	vst.msk $0xffff, v3  }
.LBB1_4:
0x32: {  	v3 =	vld [tilespmem:s21+$0x10];
	p2 =	sne.s32 s20, $0x1FC;
	[tilespmem:s19+$0x810 ss:$0x81] =	vst.msk $0xffff, v1;
	s22 =	smov.u32 s20;
	s20 =	sadd.s32 $0x4, s20  }
.Ltmp3:
0x33: {  	v1 =	vld [tilespmem:s21+$0xFFFFFFF0];
	[tilespmem:s19+$0x1020 ss:$0x81] =	vst.msk $0xffff, v0;
	(pc) =	sbr.rel @p2 .LBB1_4-.Ltmp3, $4  }
0x34: {  	v0 =	vld [tilespmem:s21+$0x0];
	[tilespmem:s19+$0x0 ss:$0x81] =	vst.msk $0xffff, v2  }
0x35: {  	s19 =	sshra.s32 s22, $0x2;
	v2 =	vld [tilespmem:s21+$0xFFFFFFE0]  }
0x36: {  	s19 =	sadd.s32 s19, s18  }
0x37: {  	s21 =	sadd.s32 $0x40, s21;
	[tilespmem:s19+$0x1830 ss:$0x81] =	vst.msk $0xffff, v3  }
.Ltmp4:
0x38: {  	(pc) =	sbr.rel @p1 .LBB1_3-.Ltmp4, $4  }
0x39: {  	_ = 	snop  }
0x3a: {  	[tilespmem:s19+$0x810 ss:$0x81] =	vst.msk $0xffff, v1  }
0x3b: {  	[tilespmem:s19+$0x1020 ss:$0x81] =	vst.msk $0xffff, v0  }
0x3c: {  	s18 =	simm.s32 $0x1;
	p2 =	por $0x0, $0x0;
	[tilespmem:s19+$0x0 ss:$0x81] =	vst.msk $0xffff, v2  }
0x3d: {  	s16 =	sshll.u32 s13, $0x3;
	s17 =	sand.u32 $0x78, s13;
	s14 =	sshll.u32 s14, $0x11  }
.Ltmp5:
0x3e: {  	s30 =	sand.u32 $0x1F800, s13;
	s16 =	sand.u32 $0x3C00, s16;
	(pc) =	sbr.rel .LBB1_7-.Ltmp5, $4  }
0x3f: {  	s31 =	sand.u32 $0x7, s13;
	s14 =	sadd.s32 s3, s14;
	s16 =	sor.u32 s17, s16  }
0x40: {  	s13 =	sshll.u32 s31, $0x12;
	s14 =	sadd.s32 s30, s14;
	s16 =	sshrl.u32 s16, $0x3  }
0x41: {  	s13 =	sor.u32 $0x400, s13;
	s14 =	sadd.s32 s16, s14  }
0x42: {  	[hbm4b:s14+s13] =	stream.strided.scatter [tilespmem:s15], [sflag:$0x2], $0x4000, s9, s13, $0x20;
	[tilespmem:$0x10100] =	vst v63  }
.LBB1_8:
0x43: {  	_ =	sfence.sel $0x180000  }
0x44: {  	s2 =	simm.s32 $0x1;
	[bflag:$0x0] =	sbarrier.arrive $0xFFFF  }
0x45: {  	s31 =	simm.s32 $0x2;
	[sflag:s2] =	ssyncpa.u1 $0x1  }
0x46: {  	[sflag:s31] =	ssyncpa.u1 $0x1  }
0x47: {  	p0 =	sne.s32 s0, $0x0;
	_ =	strace $0x9000004A  }
0x48: {  	s0 =	sadd.s32 @!p0 $0x100000, s1;
	[bflag:$0x2] =	sbarrier.arrive $0xFFFF  }
0x49: {  	[sflag:s0] =	ssyncadd.tile.s32 @!p0 $0x1;
	_ =	shalt  }
.Lfunc_end1:
_tile_overlayer_lowered:
.L_overlay_start_2:
0x4a: {  	(tag) =	ssettag $0x2  }
0x4b: {  	s0 =	rddreg [dreg:$0x0];
	s2 =	stileid.u32  }
0x4c: {  	s1 =	rddreg [dreg:$0x1];
	p0 =	sne.s32 s2, $0x0  }
0x4d: {  	s3 =	rddreg [dreg:$0x2];
	[bflag:$0x3] =	sbarrier.arrive $0xFFFF;
	s2 =	simm.s32 @!p0 $0x1C01  }
0x4e: {  	[timem:s3], [sflag:s2] =	dma.local @!p0 [hbm:s0], s1  }
0x4f: {  	s0 =	simm.s32 @!p0 $0x1  }
0x50: {  	_ =	swait.ge @!p0 [sflag:s0], s1  }
0x51: {  	s1 =	ssub.s32 @!p0 $0x0, s1;
	[sflag:s0] =	ssyncset.done @!p0 $0x0  }
0x52: {  	[sflag:s0] =	ssyncadd.s32 @!p0 s1  }
0x53: {  	[bflag:$0x3] =	sbarrier.arrive $0xFFFF  }
0x54: {  	_ =	shalt  }

</sc_bundles>
